<compile_context>
chip_gen: v7x
topology: tpu7x:2x2x1
jax: 0.10.2.dev20260603
libtpu: 0.0.44.dev20260713+nightly
codegen_flags: <defaults>
</compile_context>

<pallas_src>
import functools

import jax
import jax.numpy as jnp
from jax import lax
from jax.experimental import pallas as pl
from jax.experimental.pallas import tpu as pltpu
from jax.experimental.pallas import tpu_sc as plsc

N = 10000
E = 320000
D = 128
H = 1024
G = 16
O = 4

NC = 2
NS = 16
NW = NC * NS
EPW = E // NW
CHUNK = 80
NCHUNK = EPW // CHUNK
RPT = N // NS
ZR = 125
CW = 16


def _sc_body(src_hbm, dst_hbm, x_hbm, s_out, c_out,
             idxs_v, idxd_v, rows_v, ones_v, zrow_v, zcnt_v,
             s_sh, c_sh, sem):
    cid = lax.axis_index("c")
    sid = lax.axis_index("s")
    w = sid * NC + cid

    zeros16 = jnp.zeros((16,), jnp.float32)
    ones16 = jnp.ones((16,), jnp.float32)

    def fill_ones(i, carry):
        ones_v[i, :] = ones16
        return carry

    lax.fori_loop(0, CHUNK, fill_ones, 0)

    def fill_zrow(i, carry):
        for j in range(D // 16):
            zrow_v[i, pl.ds(j * 16, 16)] = zeros16
        return carry

    lax.fori_loop(0, ZR, fill_zrow, 0)

    def fill_zcnt(i, carry):
        zcnt_v[i, :] = zeros16
        return carry

    lax.fori_loop(0, ZR, fill_zcnt, 0)

    r0 = sid * RPT
    for k in range(RPT // ZR):
        pltpu.sync_copy(zrow_v, s_sh.at[pl.ds(r0 + k * ZR, ZR)])
        pltpu.sync_copy(zcnt_v, c_sh.at[pl.ds(r0 + k * ZR, ZR)])
    plsc.subcore_barrier()

    e0 = w * EPW

    def chunk(c, carry):
        off = e0 + c * CHUNK
        pltpu.sync_copy(src_hbm.at[pl.ds(off, CHUNK)], idxs_v)
        pltpu.sync_copy(dst_hbm.at[pl.ds(off, CHUNK)], idxd_v)
        pltpu.async_copy(x_hbm.at[idxs_v], rows_v, sem).wait()
        pltpu.sync_copy(rows_v, s_sh.at[idxd_v], add=True)
        pltpu.sync_copy(ones_v, c_sh.at[idxd_v], add=True)
        return carry

    lax.fori_loop(0, NCHUNK, chunk, 0)
    plsc.subcore_barrier()

    pltpu.sync_copy(s_sh.at[pl.ds(r0, RPT)], s_out.at[cid, pl.ds(r0, RPT)])
    pltpu.sync_copy(c_sh.at[pl.ds(r0, RPT)], c_out.at[cid, pl.ds(r0, RPT)])


@jax.jit
def _sc_segment_sum(src, dst, x):
    mesh = plsc.VectorSubcoreMesh(core_axis_name="c", subcore_axis_name="s")
    return pl.kernel(
        _sc_body,
        out_type=[
            jax.ShapeDtypeStruct((NC, N, D), jnp.float32),
            jax.ShapeDtypeStruct((NC, N, CW), jnp.float32),
        ],
        mesh=mesh,
        scratch_types=[
            pltpu.VMEM((CHUNK,), jnp.int32),
            pltpu.VMEM((CHUNK,), jnp.int32),
            pltpu.VMEM((CHUNK, D), jnp.float32),
            pltpu.VMEM((CHUNK, CW), jnp.float32),
            pltpu.VMEM((ZR, D), jnp.float32),
            pltpu.VMEM((ZR, CW), jnp.float32),
            pltpu.VMEM_SHARED((N, D), jnp.float32),
            pltpu.VMEM_SHARED((N, CW), jnp.float32),
            pltpu.SemaphoreType.DMA,
        ],
        compiler_params=pltpu.CompilerParams(use_tc_tiling_on_sc=False),
    )(src, dst, x)


BR = 400
NB = N // BR


def _tc_body(x_ref, s0_ref, s1_ref, c0_ref, c1_ref, bat_ref,
             root_ref, w_ref, b1_ref, wfc_ref, bfc_ref, out_ref, acc):
    i = pl.program_id(0)
    xa = x_ref[...]
    sa = s0_ref[...] + s1_ref[...]
    cnt = c0_ref[:, 0:1] + c1_ref[:, 0:1]
    h = sa / jnp.maximum(cnt, 1.0)
    o = (jnp.dot(xa, root_ref[...], preferred_element_type=jnp.float32)
         + jnp.dot(h, w_ref[...], preferred_element_type=jnp.float32)
         + b1_ref[...])
    o = jnp.maximum(o, 0.0)
    bb = bat_ref[0, 0, :]
    onehot = (lax.broadcasted_iota(jnp.int32, (G, BR), 0)
              == bb[None, :]).astype(jnp.float32)
    part = jnp.dot(onehot, o, preferred_element_type=jnp.float32)

    @pl.when(i == 0)
    def _():
        acc[...] = jnp.zeros_like(acc)

    acc[...] += part

    @pl.when(i == NB - 1)
    def _():
        out_ref[...] = (jnp.dot(acc[...], wfc_ref[...],
                                preferred_element_type=jnp.float32)
                        + bfc_ref[...])


@jax.jit
def _tc_dense(x, s0, s1, c0, c1, bat3, root, W0, b1r, Wfc, bfcr):
    return pl.pallas_call(
        _tc_body,
        grid=(NB,),
        in_specs=[
            pl.BlockSpec((BR, D), lambda i: (i, 0)),
            pl.BlockSpec((BR, D), lambda i: (i, 0)),
            pl.BlockSpec((BR, D), lambda i: (i, 0)),
            pl.BlockSpec((BR, CW), lambda i: (i, 0)),
            pl.BlockSpec((BR, CW), lambda i: (i, 0)),
            pl.BlockSpec((1, 1, BR), lambda i: (i, 0, 0)),
            pl.BlockSpec((D, H), lambda i: (0, 0)),
            pl.BlockSpec((D, H), lambda i: (0, 0)),
            pl.BlockSpec((1, H), lambda i: (0, 0)),
            pl.BlockSpec((H, O), lambda i: (0, 0)),
            pl.BlockSpec((1, O), lambda i: (0, 0)),
        ],
        out_specs=pl.BlockSpec((G, O), lambda i: (0, 0)),
        out_shape=jax.ShapeDtypeStruct((G, O), jnp.float32),
        scratch_shapes=[pltpu.VMEM((G, H), jnp.float32)],
        compiler_params=pltpu.CompilerParams(
            dimension_semantics=("arbitrary",),
        ),
    )(x, s0, s1, c0, c1, bat3, root, W0, b1r, Wfc, bfcr)


def kernel(x, edge_index, edge_attr, batch, W, root, b1, Wfc, bfc):
    src = edge_index[0]
    dst = edge_index[1]
    s_part, c_part = _sc_segment_sum(src, dst, x)
    bat3 = batch.reshape(NB, 1, BR)
    return _tc_dense(x, s_part[0], s_part[1], c_part[0], c_part[1], bat3,
                     root, W[0], b1.reshape(1, H), Wfc, bfc.reshape(1, O))

# --- scband reference (transcript-rebuilt; emitter-appended) ---
"""Pipeline reference for scband-temporal-ext-gcn-9208409883103 (READ-ONLY COPY).

The authoritative reference and input builder live on the scoring server;
editing this copy changes nothing except your own understanding.
"""

import jax, jax.numpy as jnp
import numpy as np

N = 10000
E = 320000
D = 128
H = 1024
R = 1
G = 16
O = 4


def setup_inputs(seed: int = 0) -> dict:
    key = jax.random.key(seed)
    ks = jax.random.split(key, 8)
    x = jax.random.normal(ks[0], (N, D), dtype=jnp.float32)
    edge_index = jax.random.randint(ks[1], (2, E), 0, N, dtype=jnp.int32)
    edge_attr = jnp.zeros((E,), dtype=jnp.int32)
    batch = jnp.sort(jax.random.randint(ks[2], (N,), 0, G, dtype=jnp.int32))
    W = jax.random.normal(ks[3], (R, D, H), dtype=jnp.float32) * 0.05
    root = jax.random.normal(ks[4], (D, H), dtype=jnp.float32) * 0.05
    b1 = jnp.zeros((H,), dtype=jnp.float32)
    Wfc = jax.random.normal(ks[5], (H, O), dtype=jnp.float32) * 0.05
    bfc = jnp.zeros((O,), dtype=jnp.float32)
    return {"x": x, "edge_index": edge_index, "edge_attr": edge_attr, "batch": batch,
            "W": W, "root": root, "b1": b1, "Wfc": Wfc, "bfc": bfc}


def reference(x, edge_index, edge_attr, batch, W, root, b1, Wfc, bfc):
    # RGCNConv (PyG semantics, aggr='mean'): out = x @ root + bias + sum_r mean_{j in N_r(i)}(x_j) @ W_r
    src = edge_index[0]
    dst = edge_index[1]
    out = x @ root + b1
    for r in range(R):
        mask = (edge_attr == r).astype(x.dtype)
        msg = x[src] * mask[:, None]
        s = jax.ops.segment_sum(msg, dst, num_segments=N)
        cnt = jax.ops.segment_sum(mask, dst, num_segments=N)
        h = s / jnp.clip(cnt, 1.0)[:, None]
        out = out + h @ W[r]
    out = jax.nn.relu(out)
    # global_add_pool over batch assignment
    pooled = jax.ops.segment_sum(out, batch, num_segments=G)
    # final linear
    return pooled @ Wfc + bfc

if __name__ == "__main__":
    import jax
    _d = setup_inputs()
    print(jax.jit(kernel)(*tuple(_d.values())))

</pallas_src>

<mosaic_0001>
#map = affine_map<(d0, d1) -> (0)>
#map1 = affine_map<(d0, d1) -> (0, 0)>
#map2 = affine_map<(d0, d1) -> (0, 0, 0)>
module attributes {stable_mosaic.version = 14 : i64} {
  func.func @_sc_body(%arg0: i32, %arg1: i32, %arg2: memref<320000xi32, #tpu.memory_space<hbm>>, %arg3: memref<320000xi32, #tpu.memory_space<hbm>>, %arg4: memref<10000x128xf32, #tpu.memory_space<hbm>>, %arg5: memref<2x10000x128xf32, #tpu.memory_space<hbm>>, %arg6: memref<2x10000x16xf32, #tpu.memory_space<hbm>>, %arg7: memref<80xi32, #tpu.memory_space<vmem>>, %arg8: memref<80xi32, #tpu.memory_space<vmem>>, %arg9: memref<80x128xf32, #tpu.memory_space<vmem>>, %arg10: memref<80x16xf32, #tpu.memory_space<vmem>>, %arg11: memref<125x128xf32, #tpu.memory_space<vmem>>, %arg12: memref<125x16xf32, #tpu.memory_space<vmem>>, %arg13: memref<10000x128xf32, #tpu.memory_space<vmem_shared>>, %arg14: memref<10000x16xf32, #tpu.memory_space<vmem_shared>>, %arg15: memref<!tpu.dma_semaphore, #tpu.memory_space<semaphore_mem>>) attributes {dimension_semantics = [#tpu.dimension_semantics<core_parallel>, #tpu.dimension_semantics<subcore_parallel>], iteration_bounds = array<i64: 2, 16>, scalar_prefetch = 0 : i64, scratch_operands = 9 : i64, tpu.core_type = #tpu.core_type<sc_vector_subcore>, window_params = [{transform_indices = #map}, {transform_indices = #map}, {transform_indices = #map1}, {transform_indices = #map2}, {transform_indices = #map2}]} {
    %mul3A = arith.constant 2 : i32
    %mul3A_0 = arith.muli %arg1, %mul3A : i32
    %add3A = arith.addi %mul3A_0, %arg0 : i32
    %broadcast_in_dim3A = arith.constant 0.000000e+00 : f32
    %broadcast_in_dim3A_1 = vector.broadcast %broadcast_in_dim3A : f32 to vector<16xf32>
    %broadcast_in_dim3A_2 = arith.constant 1.000000e+00 : f32
    %broadcast_in_dim3A_3 = vector.broadcast %broadcast_in_dim3A_2 : f32 to vector<16xf32>
    %scan3A = arith.constant 0 : i32
    %scan3A_4 = arith.constant 0 : i32
    %scan3A_5 = arith.constant 80 : i32
    %scan3A_6 = arith.addi %scan3A_4, %scan3A_5 : i32
    %scan3A_7 = arith.constant 1 : i32
    scf.for %scan3A_52 = %scan3A_4 to %scan3A_6 step %scan3A_7  : i32 {
      %swap3A = arith.index_cast %scan3A_52 : i32 to index
      %swap3A_53 = arith.constant 0 : index
      %swap3A_54 = tpu.vector_load %arg10[%swap3A, %swap3A_53] {strides = array<i32>} : memref<80x16xf32, #tpu.memory_space<vmem>>, vector<1x16xf32>,
      %swap3A_55 = vector.shape_cast %swap3A_54 : vector<1x16xf32> to vector<16xf32>
      %swap3A_56 = vector.shape_cast %broadcast_in_dim3A_3 : vector<16xf32> to vector<1x16xf32>
      tpu.vector_store %arg10[%swap3A, %swap3A_53], %swap3A_56 {strides = array<i32>} : memref<80x16xf32, #tpu.memory_space<vmem>>, vector<1x16xf32>,
    }
    %scan3A_8 = arith.constant 80 : i32
    %scan3A_9 = arith.constant 0 : i32
    %scan3A_10 = arith.constant 0 : i32
    %scan3A_11 = arith.constant 125 : i32
    %scan3A_12 = arith.addi %scan3A_10, %scan3A_11 : i32
    %scan3A_13 = arith.constant 1 : i32
    scf.for %scan3A_52 = %scan3A_10 to %scan3A_12 step %scan3A_13  : i32 {
      %swap3A = arith.index_cast %scan3A_52 : i32 to index
      %swap3A_53 = arith.constant 0 : index
      %swap3A_54 = tpu.vector_load %arg11[%swap3A, %swap3A_53] {strides = array<i32>} : memref<125x128xf32, #tpu.memory_space<vmem>>, vector<1x16xf32>,
      %swap3A_55 = vector.shape_cast %swap3A_54 : vector<1x16xf32> to vector<16xf32>
      %swap3A_56 = vector.shape_cast %broadcast_in_dim3A_1 : vector<16xf32> to vector<1x16xf32>
      tpu.vector_store %arg11[%swap3A, %swap3A_53], %swap3A_56 {strides = array<i32>} : memref<125x128xf32, #tpu.memory_space<vmem>>, vector<1x16xf32>,
      %swap3A_57 = arith.index_cast %scan3A_52 : i32 to index
      %swap3A_58 = arith.constant 16 : index
      %swap3A_59 = tpu.vector_load %arg11[%swap3A_57, %swap3A_58] {strides = array<i32>} : memref<125x128xf32, #tpu.memory_space<vmem>>, vector<1x16xf32>,
      %swap3A_60 = vector.shape_cast %swap3A_59 : vector<1x16xf32> to vector<16xf32>
      %swap3A_61 = vector.shape_cast %broadcast_in_dim3A_1 : vector<16xf32> to vector<1x16xf32>
      tpu.vector_store %arg11[%swap3A_57, %swap3A_58], %swap3A_61 {strides = array<i32>} : memref<125x128xf32, #tpu.memory_space<vmem>>, vector<1x16xf32>,
      %swap3A_62 = arith.index_cast %scan3A_52 : i32 to index
      %swap3A_63 = arith.constant 32 : index
      %swap3A_64 = tpu.vector_load %arg11[%swap3A_62, %swap3A_63] {strides = array<i32>} : memref<125x128xf32, #tpu.memory_space<vmem>>, vector<1x16xf32>,
      %swap3A_65 = vector.shape_cast %swap3A_64 : vector<1x16xf32> to vector<16xf32>
      %swap3A_66 = vector.shape_cast %broadcast_in_dim3A_1 : vector<16xf32> to vector<1x16xf32>
      tpu.vector_store %arg11[%swap3A_62, %swap3A_63], %swap3A_66 {strides = array<i32>} : memref<125x128xf32, #tpu.memory_space<vmem>>, vector<1x16xf32>,
      %swap3A_67 = arith.index_cast %scan3A_52 : i32 to index
      %swap3A_68 = arith.constant 48 : index
      %swap3A_69 = tpu.vector_load %arg11[%swap3A_67, %swap3A_68] {strides = array<i32>} : memref<125x128xf32, #tpu.memory_space<vmem>>, vector<1x16xf32>,
      %swap3A_70 = vector.shape_cast %swap3A_69 : vector<1x16xf32> to vector<16xf32>
      %swap3A_71 = vector.shape_cast %broadcast_in_dim3A_1 : vector<16xf32> to vector<1x16xf32>
      tpu.vector_store %arg11[%swap3A_67, %swap3A_68], %swap3A_71 {strides = array<i32>} : memref<125x128xf32, #tpu.memory_space<vmem>>, vector<1x16xf32>,
      %swap3A_72 = arith.index_cast %scan3A_52 : i32 to index
      %swap3A_73 = arith.constant 64 : index
      %swap3A_74 = tpu.vector_load %arg11[%swap3A_72, %swap3A_73] {strides = array<i32>} : memref<125x128xf32, #tpu.memory_space<vmem>>, vector<1x16xf32>,
      %swap3A_75 = vector.shape_cast %swap3A_74 : vector<1x16xf32> to vector<16xf32>
      %swap3A_76 = vector.shape_cast %broadcast_in_dim3A_1 : vector<16xf32> to vector<1x16xf32>
      tpu.vector_store %arg11[%swap3A_72, %swap3A_73], %swap3A_76 {strides = array<i32>} : memref<125x128xf32, #tpu.memory_space<vmem>>, vector<1x16xf32>,
      %swap3A_77 = arith.index_cast %scan3A_52 : i32 to index
      %swap3A_78 = arith.constant 80 : index
      %swap3A_79 = tpu.vector_load %arg11[%swap3A_77, %swap3A_78] {strides = array<i32>} : memref<125x128xf32, #tpu.memory_space<vmem>>, vector<1x16xf32>,
      %swap3A_80 = vector.shape_cast %swap3A_79 : vector<1x16xf32> to vector<16xf32>
      %swap3A_81 = vector.shape_cast %broadcast_in_dim3A_1 : vector<16xf32> to vector<1x16xf32>
      tpu.vector_store %arg11[%swap3A_77, %swap3A_78], %swap3A_81 {strides = array<i32>} : memref<125x128xf32, #tpu.memory_space<vmem>>, vector<1x16xf32>,
      %swap3A_82 = arith.index_cast %scan3A_52 : i32 to index
      %swap3A_83 = arith.constant 96 : index
      %swap3A_84 = tpu.vector_load %arg11[%swap3A_82, %swap3A_83] {strides = array<i32>} : memref<125x128xf32, #tpu.memory_space<vmem>>, vector<1x16xf32>,
      %swap3A_85 = vector.shape_cast %swap3A_84 : vector<1x16xf32> to vector<16xf32>
      %swap3A_86 = vector.shape_cast %broadcast_in_dim3A_1 : vector<16xf32> to vector<1x16xf32>
      tpu.vector_store %arg11[%swap3A_82, %swap3A_83], %swap3A_86 {strides = array<i32>} : memref<125x128xf32, #tpu.memory_space<vmem>>, vector<1x16xf32>,
      %swap3A_87 = arith.index_cast %scan3A_52 : i32 to index
      %swap3A_88 = arith.constant 112 : index
      %swap3A_89 = tpu.vector_load %arg11[%swap3A_87, %swap3A_88] {strides = array<i32>} : memref<125x128xf32, #tpu.memory_space<vmem>>, vector<1x16xf32>,
      %swap3A_90 = vector.shape_cast %swap3A_89 : vector<1x16xf32> to vector<16xf32>
      %swap3A_91 = vector.shape_cast %broadcast_in_dim3A_1 : vector<16xf32> to vector<1x16xf32>
      tpu.vector_store %arg11[%swap3A_87, %swap3A_88], %swap3A_91 {strides = array<i32>} : memref<125x128xf32, #tpu.memory_space<vmem>>, vector<1x16xf32>,
    }
    %scan3A_14 = arith.constant 125 : i32
    %scan3A_15 = arith.constant 0 : i32
    %scan3A_16 = arith.constant 0 : i32
    %scan3A_17 = arith.constant 125 : i32
    %scan3A_18 = arith.addi %scan3A_16, %scan3A_17 : i32
    %scan3A_19 = arith.constant 1 : i32
    scf.for %scan3A_52 = %scan3A_16 to %scan3A_18 step %scan3A_19  : i32 {
      %swap3A = arith.index_cast %scan3A_52 : i32 to index
      %swap3A_53 = arith.constant 0 : index
      %swap3A_54 = tpu.vector_load %arg12[%swap3A, %swap3A_53] {strides = array<i32>} : memref<125x16xf32, #tpu.memory_space<vmem>>, vector<1x16xf32>,
      %swap3A_55 = vector.shape_cast %swap3A_54 : vector<1x16xf32> to vector<16xf32>
      %swap3A_56 = vector.shape_cast %broadcast_in_dim3A_1 : vector<16xf32> to vector<1x16xf32>
      tpu.vector_store %arg12[%swap3A, %swap3A_53], %swap3A_56 {strides = array<i32>} : memref<125x16xf32, #tpu.memory_space<vmem>>, vector<1x16xf32>,
    }
    %scan3A_20 = arith.constant 125 : i32
    %mul3A_21 = arith.constant 625 : i32
    %mul3A_22 = arith.muli %arg1, %mul3A_21 : i32
    %add3A_23 = arith.constant 0 : i32
    %add3A_24 = arith.addi %mul3A_22, %add3A_23 : i32
    "tpu.region"() ({
      %run_scoped3A = tpu.sem_alloc : memref<!tpu.dma_semaphore, #tpu.memory_space<semaphore_mem>>
      %dma_start3A = arith.constant 0 : i32
      %dma_start3A_52 = tpu.memref_slice %arg13[%add3A_24, %dma_start3A] : memref<10000x128xf32, #tpu.memory_space<vmem_shared>> -> memref<125x128xf32, #tpu.memory_space<vmem_shared>>
      %dma_start3A_53 = arith.constant 0 : i32
      %dma_start3A_54 = tpu.memref_slice %arg13[%add3A_24, %dma_start3A_53] : memref<10000x128xf32, #tpu.memory_space<vmem_shared>> -> memref<125x128xf32, #tpu.memory_space<vmem_shared>>
      tpu.enqueue_dma source(%arg11 : memref<125x128xf32, #tpu.memory_space<vmem>>) target(%dma_start3A_54 : memref<125x128xf32, #tpu.memory_space<vmem_shared>>) target_semaphore(%run_scoped3A : memref<!tpu.dma_semaphore, #tpu.memory_space<semaphore_mem>>)
      %dma_wait3A = arith.constant 0 : i32
      %dma_wait3A_55 = tpu.memref_slice %arg13[%add3A_24, %dma_wait3A] : memref<10000x128xf32, #tpu.memory_space<vmem_shared>> -> memref<125x128xf32, #tpu.memory_space<vmem_shared>>
      %dma_wait3A_56 = arith.constant 0 : i32
      %dma_wait3A_57 = tpu.memref_slice %arg13[%add3A_24, %dma_wait3A_56] : memref<10000x128xf32, #tpu.memory_space<vmem_shared>> -> memref<125x128xf32, #tpu.memory_space<vmem_shared>>
      tpu.wait_dma2 semaphore(%run_scoped3A : memref<!tpu.dma_semaphore, #tpu.memory_space<semaphore_mem>>) src(%arg11 : memref<125x128xf32, #tpu.memory_space<vmem>>) dst(%dma_wait3A_57 : memref<125x128xf32, #tpu.memory_space<vmem_shared>>)
      tpu.yield
    }) : () -> ()
    %add3A_25 = arith.constant 0 : i32
    %add3A_26 = arith.addi %mul3A_22, %add3A_25 : i32
    "tpu.region"() ({
      %run_scoped3A = tpu.sem_alloc : memref<!tpu.dma_semaphore, #tpu.memory_space<semaphore_mem>>
      %dma_start3A = arith.constant 0 : i32
      %dma_start3A_52 = tpu.memref_slice %arg14[%add3A_26, %dma_start3A] : memref<10000x16xf32, #tpu.memory_space<vmem_shared>> -> memref<125x16xf32, #tpu.memory_space<vmem_shared>>
      %dma_start3A_53 = arith.constant 0 : i32
      %dma_start3A_54 = tpu.memref_slice %arg14[%add3A_26, %dma_start3A_53] : memref<10000x16xf32, #tpu.memory_space<vmem_shared>> -> memref<125x16xf32, #tpu.memory_space<vmem_shared>>
      tpu.enqueue_dma source(%arg12 : memref<125x16xf32, #tpu.memory_space<vmem>>) target(%dma_start3A_54 : memref<125x16xf32, #tpu.memory_space<vmem_shared>>) target_semaphore(%run_scoped3A : memref<!tpu.dma_semaphore, #tpu.memory_space<semaphore_mem>>)
      %dma_wait3A = arith.constant 0 : i32
      %dma_wait3A_55 = tpu.memref_slice %arg14[%add3A_26, %dma_wait3A] : memref<10000x16xf32, #tpu.memory_space<vmem_shared>> -> memref<125x16xf32, #tpu.memory_space<vmem_shared>>
      %dma_wait3A_56 = arith.constant 0 : i32
      %dma_wait3A_57 = tpu.memref_slice %arg14[%add3A_26, %dma_wait3A_56] : memref<10000x16xf32, #tpu.memory_space<vmem_shared>> -> memref<125x16xf32, #tpu.memory_space<vmem_shared>>
      tpu.wait_dma2 semaphore(%run_scoped3A : memref<!tpu.dma_semaphore, #tpu.memory_space<semaphore_mem>>) src(%arg12 : memref<125x16xf32, #tpu.memory_space<vmem>>) dst(%dma_wait3A_57 : memref<125x16xf32, #tpu.memory_space<vmem_shared>>)
      tpu.yield
    }) : () -> ()
    %add3A_27 = arith.constant 125 : i32
    %add3A_28 = arith.addi %mul3A_22, %add3A_27 : i32
    "tpu.region"() ({
      %run_scoped3A = tpu.sem_alloc : memref<!tpu.dma_semaphore, #tpu.memory_space<semaphore_mem>>
      %dma_start3A = arith.constant 0 : i32
      %dma_start3A_52 = tpu.memref_slice %arg13[%add3A_28, %dma_start3A] : memref<10000x128xf32, #tpu.memory_space<vmem_shared>> -> memref<125x128xf32, #tpu.memory_space<vmem_shared>>
      %dma_start3A_53 = arith.constant 0 : i32
      %dma_start3A_54 = tpu.memref_slice %arg13[%add3A_28, %dma_start3A_53] : memref<10000x128xf32, #tpu.memory_space<vmem_shared>> -> memref<125x128xf32, #tpu.memory_space<vmem_shared>>
      tpu.enqueue_dma source(%arg11 : memref<125x128xf32, #tpu.memory_space<vmem>>) target(%dma_start3A_54 : memref<125x128xf32, #tpu.memory_space<vmem_shared>>) target_semaphore(%run_scoped3A : memref<!tpu.dma_semaphore, #tpu.memory_space<semaphore_mem>>)
      %dma_wait3A = arith.constant 0 : i32
      %dma_wait3A_55 = tpu.memref_slice %arg13[%add3A_28, %dma_wait3A] : memref<10000x128xf32, #tpu.memory_space<vmem_shared>> -> memref<125x128xf32, #tpu.memory_space<vmem_shared>>
      %dma_wait3A_56 = arith.constant 0 : i32
      %dma_wait3A_57 = tpu.memref_slice %arg13[%add3A_28, %dma_wait3A_56] : memref<10000x128xf32, #tpu.memory_space<vmem_shared>> -> memref<125x128xf32, #tpu.memory_space<vmem_shared>>
      tpu.wait_dma2 semaphore(%run_scoped3A : memref<!tpu.dma_semaphore, #tpu.memory_space<semaphore_mem>>) src(%arg11 : memref<125x128xf32, #tpu.memory_space<vmem>>) dst(%dma_wait3A_57 : memref<125x128xf32, #tpu.memory_space<vmem_shared>>)
      tpu.yield
    }) : () -> ()
    %add3A_29 = arith.constant 125 : i32
    %add3A_30 = arith.addi %mul3A_22, %add3A_29 : i32
    "tpu.region"() ({
      %run_scoped3A = tpu.sem_alloc : memref<!tpu.dma_semaphore, #tpu.memory_space<semaphore_mem>>
      %dma_start3A = arith.constant 0 : i32
      %dma_start3A_52 = tpu.memref_slice %arg14[%add3A_30, %dma_start3A] : memref<10000x16xf32, #tpu.memory_space<vmem_shared>> -> memref<125x16xf32, #tpu.memory_space<vmem_shared>>
      %dma_start3A_53 = arith.constant 0 : i32
      %dma_start3A_54 = tpu.memref_slice %arg14[%add3A_30, %dma_start3A_53] : memref<10000x16xf32, #tpu.memory_space<vmem_shared>> -> memref<125x16xf32, #tpu.memory_space<vmem_shared>>
      tpu.enqueue_dma source(%arg12 : memref<125x16xf32, #tpu.memory_space<vmem>>) target(%dma_start3A_54 : memref<125x16xf32, #tpu.memory_space<vmem_shared>>) target_semaphore(%run_scoped3A : memref<!tpu.dma_semaphore, #tpu.memory_space<semaphore_mem>>)
      %dma_wait3A = arith.constant 0 : i32
      %dma_wait3A_55 = tpu.memref_slice %arg14[%add3A_30, %dma_wait3A] : memref<10000x16xf32, #tpu.memory_space<vmem_shared>> -> memref<125x16xf32, #tpu.memory_space<vmem_shared>>
      %dma_wait3A_56 = arith.constant 0 : i32
      %dma_wait3A_57 = tpu.memref_slice %arg14[%add3A_30, %dma_wait3A_56] : memref<10000x16xf32, #tpu.memory_space<vmem_shared>> -> memref<125x16xf32, #tpu.memory_space<vmem_shared>>
      tpu.wait_dma2 semaphore(%run_scoped3A : memref<!tpu.dma_semaphore, #tpu.memory_space<semaphore_mem>>) src(%arg12 : memref<125x16xf32, #tpu.memory_space<vmem>>) dst(%dma_wait3A_57 : memref<125x16xf32, #tpu.memory_space<vmem_shared>>)
      tpu.yield
    }) : () -> ()
    %add3A_31 = arith.constant 250 : i32
    %add3A_32 = arith.addi %mul3A_22, %add3A_31 : i32
    "tpu.region"() ({
      %run_scoped3A = tpu.sem_alloc : memref<!tpu.dma_semaphore, #tpu.memory_space<semaphore_mem>>
      %dma_start3A = arith.constant 0 : i32
      %dma_start3A_52 = tpu.memref_slice %arg13[%add3A_32, %dma_start3A] : memref<10000x128xf32, #tpu.memory_space<vmem_shared>> -> memref<125x128xf32, #tpu.memory_space<vmem_shared>>
      %dma_start3A_53 = arith.constant 0 : i32
      %dma_start3A_54 = tpu.memref_slice %arg13[%add3A_32, %dma_start3A_53] : memref<10000x128xf32, #tpu.memory_space<vmem_shared>> -> memref<125x128xf32, #tpu.memory_space<vmem_shared>>
      tpu.enqueue_dma source(%arg11 : memref<125x128xf32, #tpu.memory_space<vmem>>) target(%dma_start3A_54 : memref<125x128xf32, #tpu.memory_space<vmem_shared>>) target_semaphore(%run_scoped3A : memref<!tpu.dma_semaphore, #tpu.memory_space<semaphore_mem>>)
      %dma_wait3A = arith.constant 0 : i32
      %dma_wait3A_55 = tpu.memref_slice %arg13[%add3A_32, %dma_wait3A] : memref<10000x128xf32, #tpu.memory_space<vmem_shared>> -> memref<125x128xf32, #tpu.memory_space<vmem_shared>>
      %dma_wait3A_56 = arith.constant 0 : i32
      %dma_wait3A_57 = tpu.memref_slice %arg13[%add3A_32, %dma_wait3A_56] : memref<10000x128xf32, #tpu.memory_space<vmem_shared>> -> memref<125x128xf32, #tpu.memory_space<vmem_shared>>
      tpu.wait_dma2 semaphore(%run_scoped3A : memref<!tpu.dma_semaphore, #tpu.memory_space<semaphore_mem>>) src(%arg11 : memref<125x128xf32, #tpu.memory_space<vmem>>) dst(%dma_wait3A_57 : memref<125x128xf32, #tpu.memory_space<vmem_shared>>)
      tpu.yield
    }) : () -> ()
    %add3A_33 = arith.constant 250 : i32
    %add3A_34 = arith.addi %mul3A_22, %add3A_33 : i32
    "tpu.region"() ({
      %run_scoped3A = tpu.sem_alloc : memref<!tpu.dma_semaphore, #tpu.memory_space<semaphore_mem>>
      %dma_start3A = arith.constant 0 : i32
      %dma_start3A_52 = tpu.memref_slice %arg14[%add3A_34, %dma_start3A] : memref<10000x16xf32, #tpu.memory_space<vmem_shared>> -> memref<125x16xf32, #tpu.memory_space<vmem_shared>>
      %dma_start3A_53 = arith.constant 0 : i32
      %dma_start3A_54 = tpu.memref_slice %arg14[%add3A_34, %dma_start3A_53] : memref<10000x16xf32, #tpu.memory_space<vmem_shared>> -> memref<125x16xf32, #tpu.memory_space<vmem_shared>>
      tpu.enqueue_dma source(%arg12 : memref<125x16xf32, #tpu.memory_space<vmem>>) target(%dma_start3A_54 : memref<125x16xf32, #tpu.memory_space<vmem_shared>>) target_semaphore(%run_scoped3A : memref<!tpu.dma_semaphore, #tpu.memory_space<semaphore_mem>>)
      %dma_wait3A = arith.constant 0 : i32
      %dma_wait3A_55 = tpu.memref_slice %arg14[%add3A_34, %dma_wait3A] : memref<10000x16xf32, #tpu.memory_space<vmem_shared>> -> memref<125x16xf32, #tpu.memory_space<vmem_shared>>
      %dma_wait3A_56 = arith.constant 0 : i32
      %dma_wait3A_57 = tpu.memref_slice %arg14[%add3A_34, %dma_wait3A_56] : memref<10000x16xf32, #tpu.memory_space<vmem_shared>> -> memref<125x16xf32, #tpu.memory_space<vmem_shared>>
      tpu.wait_dma2 semaphore(%run_scoped3A : memref<!tpu.dma_semaphore, #tpu.memory_space<semaphore_mem>>) src(%arg12 : memref<125x16xf32, #tpu.memory_space<vmem>>) dst(%dma_wait3A_57 : memref<125x16xf32, #tpu.memory_space<vmem_shared>>)
      tpu.yield
    }) : () -> ()
    %add3A_35 = arith.constant 375 : i32
    %add3A_36 = arith.addi %mul3A_22, %add3A_35 : i32
    "tpu.region"() ({
      %run_scoped3A = tpu.sem_alloc : memref<!tpu.dma_semaphore, #tpu.memory_space<semaphore_mem>>
      %dma_start3A = arith.constant 0 : i32
      %dma_start3A_52 = tpu.memref_slice %arg13[%add3A_36, %dma_start3A] : memref<10000x128xf32, #tpu.memory_space<vmem_shared>> -> memref<125x128xf32, #tpu.memory_space<vmem_shared>>
      %dma_start3A_53 = arith.constant 0 : i32
      %dma_start3A_54 = tpu.memref_slice %arg13[%add3A_36, %dma_start3A_53] : memref<10000x128xf32, #tpu.memory_space<vmem_shared>> -> memref<125x128xf32, #tpu.memory_space<vmem_shared>>
      tpu.enqueue_dma source(%arg11 : memref<125x128xf32, #tpu.memory_space<vmem>>) target(%dma_start3A_54 : memref<125x128xf32, #tpu.memory_space<vmem_shared>>) target_semaphore(%run_scoped3A : memref<!tpu.dma_semaphore, #tpu.memory_space<semaphore_mem>>)
      %dma_wait3A = arith.constant 0 : i32
      %dma_wait3A_55 = tpu.memref_slice %arg13[%add3A_36, %dma_wait3A] : memref<10000x128xf32, #tpu.memory_space<vmem_shared>> -> memref<125x128xf32, #tpu.memory_space<vmem_shared>>
      %dma_wait3A_56 = arith.constant 0 : i32
      %dma_wait3A_57 = tpu.memref_slice %arg13[%add3A_36, %dma_wait3A_56] : memref<10000x128xf32, #tpu.memory_space<vmem_shared>> -> memref<125x128xf32, #tpu.memory_space<vmem_shared>>
      tpu.wait_dma2 semaphore(%run_scoped3A : memref<!tpu.dma_semaphore, #tpu.memory_space<semaphore_mem>>) src(%arg11 : memref<125x128xf32, #tpu.memory_space<vmem>>) dst(%dma_wait3A_57 : memref<125x128xf32, #tpu.memory_space<vmem_shared>>)
      tpu.yield
    }) : () -> ()
    %add3A_37 = arith.constant 375 : i32
    %add3A_38 = arith.addi %mul3A_22, %add3A_37 : i32
    "tpu.region"() ({
      %run_scoped3A = tpu.sem_alloc : memref<!tpu.dma_semaphore, #tpu.memory_space<semaphore_mem>>
      %dma_start3A = arith.constant 0 : i32
      %dma_start3A_52 = tpu.memref_slice %arg14[%add3A_38, %dma_start3A] : memref<10000x16xf32, #tpu.memory_space<vmem_shared>> -> memref<125x16xf32, #tpu.memory_space<vmem_shared>>
      %dma_start3A_53 = arith.constant 0 : i32
      %dma_start3A_54 = tpu.memref_slice %arg14[%add3A_38, %dma_start3A_53] : memref<10000x16xf32, #tpu.memory_space<vmem_shared>> -> memref<125x16xf32, #tpu.memory_space<vmem_shared>>
      tpu.enqueue_dma source(%arg12 : memref<125x16xf32, #tpu.memory_space<vmem>>) target(%dma_start3A_54 : memref<125x16xf32, #tpu.memory_space<vmem_shared>>) target_semaphore(%run_scoped3A : memref<!tpu.dma_semaphore, #tpu.memory_space<semaphore_mem>>)
      %dma_wait3A = arith.constant 0 : i32
      %dma_wait3A_55 = tpu.memref_slice %arg14[%add3A_38, %dma_wait3A] : memref<10000x16xf32, #tpu.memory_space<vmem_shared>> -> memref<125x16xf32, #tpu.memory_space<vmem_shared>>
      %dma_wait3A_56 = arith.constant 0 : i32
      %dma_wait3A_57 = tpu.memref_slice %arg14[%add3A_38, %dma_wait3A_56] : memref<10000x16xf32, #tpu.memory_space<vmem_shared>> -> memref<125x16xf32, #tpu.memory_space<vmem_shared>>
      tpu.wait_dma2 semaphore(%run_scoped3A : memref<!tpu.dma_semaphore, #tpu.memory_space<semaphore_mem>>) src(%arg12 : memref<125x16xf32, #tpu.memory_space<vmem>>) dst(%dma_wait3A_57 : memref<125x16xf32, #tpu.memory_space<vmem_shared>>)
      tpu.yield
    }) : () -> ()
    %add3A_39 = arith.constant 500 : i32
    %add3A_40 = arith.addi %mul3A_22, %add3A_39 : i32
    "tpu.region"() ({
      %run_scoped3A = tpu.sem_alloc : memref<!tpu.dma_semaphore, #tpu.memory_space<semaphore_mem>>
      %dma_start3A = arith.constant 0 : i32
      %dma_start3A_52 = tpu.memref_slice %arg13[%add3A_40, %dma_start3A] : memref<10000x128xf32, #tpu.memory_space<vmem_shared>> -> memref<125x128xf32, #tpu.memory_space<vmem_shared>>
      %dma_start3A_53 = arith.constant 0 : i32
      %dma_start3A_54 = tpu.memref_slice %arg13[%add3A_40, %dma_start3A_53] : memref<10000x128xf32, #tpu.memory_space<vmem_shared>> -> memref<125x128xf32, #tpu.memory_space<vmem_shared>>
      tpu.enqueue_dma source(%arg11 : memref<125x128xf32, #tpu.memory_space<vmem>>) target(%dma_start3A_54 : memref<125x128xf32, #tpu.memory_space<vmem_shared>>) target_semaphore(%run_scoped3A : memref<!tpu.dma_semaphore, #tpu.memory_space<semaphore_mem>>)
      %dma_wait3A = arith.constant 0 : i32
      %dma_wait3A_55 = tpu.memref_slice %arg13[%add3A_40, %dma_wait3A] : memref<10000x128xf32, #tpu.memory_space<vmem_shared>> -> memref<125x128xf32, #tpu.memory_space<vmem_shared>>
      %dma_wait3A_56 = arith.constant 0 : i32
      %dma_wait3A_57 = tpu.memref_slice %arg13[%add3A_40, %dma_wait3A_56] : memref<10000x128xf32, #tpu.memory_space<vmem_shared>> -> memref<125x128xf32, #tpu.memory_space<vmem_shared>>
      tpu.wait_dma2 semaphore(%run_scoped3A : memref<!tpu.dma_semaphore, #tpu.memory_space<semaphore_mem>>) src(%arg11 : memref<125x128xf32, #tpu.memory_space<vmem>>) dst(%dma_wait3A_57 : memref<125x128xf32, #tpu.memory_space<vmem_shared>>)
      tpu.yield
    }) : () -> ()
    %add3A_41 = arith.constant 500 : i32
    %add3A_42 = arith.addi %mul3A_22, %add3A_41 : i32
    "tpu.region"() ({
      %run_scoped3A = tpu.sem_alloc : memref<!tpu.dma_semaphore, #tpu.memory_space<semaphore_mem>>
      %dma_start3A = arith.constant 0 : i32
      %dma_start3A_52 = tpu.memref_slice %arg14[%add3A_42, %dma_start3A] : memref<10000x16xf32, #tpu.memory_space<vmem_shared>> -> memref<125x16xf32, #tpu.memory_space<vmem_shared>>
      %dma_start3A_53 = arith.constant 0 : i32
      %dma_start3A_54 = tpu.memref_slice %arg14[%add3A_42, %dma_start3A_53] : memref<10000x16xf32, #tpu.memory_space<vmem_shared>> -> memref<125x16xf32, #tpu.memory_space<vmem_shared>>
      tpu.enqueue_dma source(%arg12 : memref<125x16xf32, #tpu.memory_space<vmem>>) target(%dma_start3A_54 : memref<125x16xf32, #tpu.memory_space<vmem_shared>>) target_semaphore(%run_scoped3A : memref<!tpu.dma_semaphore, #tpu.memory_space<semaphore_mem>>)
      %dma_wait3A = arith.constant 0 : i32
      %dma_wait3A_55 = tpu.memref_slice %arg14[%add3A_42, %dma_wait3A] : memref<10000x16xf32, #tpu.memory_space<vmem_shared>> -> memref<125x16xf32, #tpu.memory_space<vmem_shared>>
      %dma_wait3A_56 = arith.constant 0 : i32
      %dma_wait3A_57 = tpu.memref_slice %arg14[%add3A_42, %dma_wait3A_56] : memref<10000x16xf32, #tpu.memory_space<vmem_shared>> -> memref<125x16xf32, #tpu.memory_space<vmem_shared>>
      tpu.wait_dma2 semaphore(%run_scoped3A : memref<!tpu.dma_semaphore, #tpu.memory_space<semaphore_mem>>) src(%arg12 : memref<125x16xf32, #tpu.memory_space<vmem>>) dst(%dma_wait3A_57 : memref<125x16xf32, #tpu.memory_space<vmem_shared>>)
      tpu.yield
    }) : () -> ()
    %barrier3A = arith.constant 0 : index
    tpu.barrier barrier_id(%barrier3A)
    %mul3A_43 = arith.constant 10000 : i32
    %mul3A_44 = arith.muli %add3A, %mul3A_43 : i32
    %scan3A_45 = arith.constant 0 : i32
    %scan3A_46 = arith.constant 0 : i32
    %scan3A_47 = arith.constant 125 : i32
    %scan3A_48 = arith.addi %scan3A_46, %scan3A_47 : i32
    %scan3A_49 = arith.constant 1 : i32
    scf.for %scan3A_52 = %scan3A_46 to %scan3A_48 step %scan3A_49  : i32 {
      %mul3A_53 = arith.constant 80 : i32
      %mul3A_54 = arith.muli %scan3A_52, %mul3A_53 : i32
      %add3A_55 = arith.addi %mul3A_44, %mul3A_54 : i32
      "tpu.region"() ({
        %run_scoped3A = tpu.sem_alloc : memref<!tpu.dma_semaphore, #tpu.memory_space<semaphore_mem>>
        %dma_start3A_60 = tpu.memref_slice %arg2[%add3A_55] : memref<320000xi32, #tpu.memory_space<hbm>> -> memref<80xi32, #tpu.memory_space<hbm>>
        %dma_start3A_61 = tpu.memref_slice %arg2[%add3A_55] : memref<320000xi32, #tpu.memory_space<hbm>> -> memref<80xi32, #tpu.memory_space<hbm>>
        tpu.enqueue_dma source(%dma_start3A_61 : memref<80xi32, #tpu.memory_space<hbm>>) target(%arg7 : memref<80xi32, #tpu.memory_space<vmem>>) target_semaphore(%run_scoped3A : memref<!tpu.dma_semaphore, #tpu.memory_space<semaphore_mem>>)
        %dma_wait3A_62 = tpu.memref_slice %arg2[%add3A_55] : memref<320000xi32, #tpu.memory_space<hbm>> -> memref<80xi32, #tpu.memory_space<hbm>>
        %dma_wait3A_63 = tpu.memref_slice %arg2[%add3A_55] : memref<320000xi32, #tpu.memory_space<hbm>> -> memref<80xi32, #tpu.memory_space<hbm>>
        tpu.wait_dma2 semaphore(%run_scoped3A : memref<!tpu.dma_semaphore, #tpu.memory_space<semaphore_mem>>) src(%dma_wait3A_63 : memref<80xi32, #tpu.memory_space<hbm>>) dst(%arg7 : memref<80xi32, #tpu.memory_space<vmem>>)
        tpu.yield
      }) : () -> ()
      "tpu.region"() ({
        %run_scoped3A = tpu.sem_alloc : memref<!tpu.dma_semaphore, #tpu.memory_space<semaphore_mem>>
        %dma_start3A_60 = tpu.memref_slice %arg3[%add3A_55] : memref<320000xi32, #tpu.memory_space<hbm>> -> memref<80xi32, #tpu.memory_space<hbm>>
        %dma_start3A_61 = tpu.memref_slice %arg3[%add3A_55] : memref<320000xi32, #tpu.memory_space<hbm>> -> memref<80xi32, #tpu.memory_space<hbm>>
        tpu.enqueue_dma source(%dma_start3A_61 : memref<80xi32, #tpu.memory_space<hbm>>) target(%arg8 : memref<80xi32, #tpu.memory_space<vmem>>) target_semaphore(%run_scoped3A : memref<!tpu.dma_semaphore, #tpu.memory_space<semaphore_mem>>)
        %dma_wait3A_62 = tpu.memref_slice %arg3[%add3A_55] : memref<320000xi32, #tpu.memory_space<hbm>> -> memref<80xi32, #tpu.memory_space<hbm>>
        %dma_wait3A_63 = tpu.memref_slice %arg3[%add3A_55] : memref<320000xi32, #tpu.memory_space<hbm>> -> memref<80xi32, #tpu.memory_space<hbm>>
        tpu.wait_dma2 semaphore(%run_scoped3A : memref<!tpu.dma_semaphore, #tpu.memory_space<semaphore_mem>>) src(%dma_wait3A_63 : memref<80xi32, #tpu.memory_space<hbm>>) dst(%arg8 : memref<80xi32, #tpu.memory_space<vmem>>)
        tpu.yield
      }) : () -> ()
      %dma_start3A = arith.constant 0 : i32
      %dma_start3A_56 = arith.constant 0 : i32
      %dma_start3A_57 = tpu.memref_slice %arg4[%dma_start3A, %dma_start3A_56] : memref<10000x128xf32, #tpu.memory_space<hbm>> -> memref<10000x128xf32, #tpu.memory_space<hbm>>
      tpu.enqueue_indirect_dma source(%dma_start3A_57 : memref<10000x128xf32, #tpu.memory_space<hbm>>) target(%arg9 : memref<80x128xf32, #tpu.memory_space<vmem>>) offsets(%arg7 : memref<80xi32, #tpu.memory_space<vmem>>) semaphore(%arg15 : memref<!tpu.dma_semaphore, #tpu.memory_space<semaphore_mem>>)
      %dma_wait3A = arith.constant 0 : i32
      %dma_wait3A_58 = arith.constant 0 : i32
      %dma_wait3A_59 = tpu.memref_slice %arg4[%dma_wait3A, %dma_wait3A_58] : memref<10000x128xf32, #tpu.memory_space<hbm>> -> memref<10000x128xf32, #tpu.memory_space<hbm>>
      tpu.wait_indirect_dma semaphore(%arg15 : memref<!tpu.dma_semaphore, #tpu.memory_space<semaphore_mem>>) src(%dma_wait3A_59 : memref<10000x128xf32, #tpu.memory_space<hbm>>) dst(%arg9 : memref<80x128xf32, #tpu.memory_space<vmem>>)
      "tpu.region"() ({
        %run_scoped3A = tpu.sem_alloc : memref<!tpu.dma_semaphore, #tpu.memory_space<semaphore_mem>>
        %dma_start3A_60 = arith.constant 0 : i32
        %dma_start3A_61 = arith.constant 0 : i32
        %dma_start3A_62 = tpu.memref_slice %arg13[%dma_start3A_60, %dma_start3A_61] : memref<10000x128xf32, #tpu.memory_space<vmem_shared>> -> memref<10000x128xf32, #tpu.memory_space<vmem_shared>>
        tpu.enqueue_indirect_dma source(%arg9 : memref<80x128xf32, #tpu.memory_space<vmem>>) target(%dma_start3A_62 : memref<10000x128xf32, #tpu.memory_space<vmem_shared>>) offsets(%arg8 : memref<80xi32, #tpu.memory_space<vmem>>) semaphore(%run_scoped3A : memref<!tpu.dma_semaphore, #tpu.memory_space<semaphore_mem>>) {add = true}
        %dma_wait3A_63 = arith.constant 0 : i32
        %dma_wait3A_64 = arith.constant 0 : i32
        %dma_wait3A_65 = tpu.memref_slice %arg13[%dma_wait3A_63, %dma_wait3A_64] : memref<10000x128xf32, #tpu.memory_space<vmem_shared>> -> memref<10000x128xf32, #tpu.memory_space<vmem_shared>>
        tpu.wait_indirect_dma semaphore(%run_scoped3A : memref<!tpu.dma_semaphore, #tpu.memory_space<semaphore_mem>>) src(%arg9 : memref<80x128xf32, #tpu.memory_space<vmem>>) dst(%dma_wait3A_65 : memref<10000x128xf32, #tpu.memory_space<vmem_shared>>)
        tpu.yield
      }) : () -> ()
      "tpu.region"() ({
        %run_scoped3A = tpu.sem_alloc : memref<!tpu.dma_semaphore, #tpu.memory_space<semaphore_mem>>
        %dma_start3A_60 = arith.constant 0 : i32
        %dma_start3A_61 = arith.constant 0 : i32
        %dma_start3A_62 = tpu.memref_slice %arg14[%dma_start3A_60, %dma_start3A_61] : memref<10000x16xf32, #tpu.memory_space<vmem_shared>> -> memref<10000x16xf32, #tpu.memory_space<vmem_shared>>
        tpu.enqueue_indirect_dma source(%arg10 : memref<80x16xf32, #tpu.memory_space<vmem>>) target(%dma_start3A_62 : memref<10000x16xf32, #tpu.memory_space<vmem_shared>>) offsets(%arg8 : memref<80xi32, #tpu.memory_space<vmem>>) semaphore(%run_scoped3A : memref<!tpu.dma_semaphore, #tpu.memory_space<semaphore_mem>>) {add = true}
        %dma_wait3A_63 = arith.constant 0 : i32
        %dma_wait3A_64 = arith.constant 0 : i32
        %dma_wait3A_65 = tpu.memref_slice %arg14[%dma_wait3A_63, %dma_wait3A_64] : memref<10000x16xf32, #tpu.memory_space<vmem_shared>> -> memref<10000x16xf32, #tpu.memory_space<vmem_shared>>
        tpu.wait_indirect_dma semaphore(%run_scoped3A : memref<!tpu.dma_semaphore, #tpu.memory_space<semaphore_mem>>) src(%arg10 : memref<80x16xf32, #tpu.memory_space<vmem>>) dst(%dma_wait3A_65 : memref<10000x16xf32, #tpu.memory_space<vmem_shared>>)
        tpu.yield
      }) : () -> ()
    }
    %scan3A_50 = arith.constant 125 : i32
    %barrier3A_51 = arith.constant 0 : index
    tpu.barrier barrier_id(%barrier3A_51)
    "tpu.region"() ({
      %run_scoped3A = tpu.sem_alloc : memref<!tpu.dma_semaphore, #tpu.memory_space<semaphore_mem>>
      %dma_start3A = arith.constant 0 : i32
      %dma_start3A_52 = tpu.memref_slice %arg5[%arg0, %mul3A_22, %dma_start3A] : memref<2x10000x128xf32, #tpu.memory_space<hbm>> -> memref<1x625x128xf32, #tpu.memory_space<hbm>>
      %dma_start3A_53 = tpu.memref_squeeze %dma_start3A_52 : memref<1x625x128xf32, #tpu.memory_space<hbm>> -> memref<625x128xf32, #tpu.memory_space<hbm>>
      %dma_start3A_54 = arith.constant 0 : i32
      %dma_start3A_55 = tpu.memref_slice %arg13[%mul3A_22, %dma_start3A_54] : memref<10000x128xf32, #tpu.memory_space<vmem_shared>> -> memref<625x128xf32, #tpu.memory_space<vmem_shared>>
      tpu.enqueue_dma source(%dma_start3A_55 : memref<625x128xf32, #tpu.memory_space<vmem_shared>>) target(%dma_start3A_53 : memref<625x128xf32, #tpu.memory_space<hbm>>) target_semaphore(%run_scoped3A : memref<!tpu.dma_semaphore, #tpu.memory_space<semaphore_mem>>)
      %dma_wait3A = arith.constant 0 : i32
      %dma_wait3A_56 = tpu.memref_slice %arg5[%arg0, %mul3A_22, %dma_wait3A] : memref<2x10000x128xf32, #tpu.memory_space<hbm>> -> memref<1x625x128xf32, #tpu.memory_space<hbm>>
      %dma_wait3A_57 = tpu.memref_squeeze %dma_wait3A_56 : memref<1x625x128xf32, #tpu.memory_space<hbm>> -> memref<625x128xf32, #tpu.memory_space<hbm>>
      %dma_wait3A_58 = arith.constant 0 : i32
      %dma_wait3A_59 = tpu.memref_slice %arg13[%mul3A_22, %dma_wait3A_58] : memref<10000x128xf32, #tpu.memory_space<vmem_shared>> -> memref<625x128xf32, #tpu.memory_space<vmem_shared>>
      tpu.wait_dma2 semaphore(%run_scoped3A : memref<!tpu.dma_semaphore, #tpu.memory_space<semaphore_mem>>) src(%dma_wait3A_59 : memref<625x128xf32, #tpu.memory_space<vmem_shared>>) dst(%dma_wait3A_57 : memref<625x128xf32, #tpu.memory_space<hbm>>)
      tpu.yield
    }) : () -> ()
    "tpu.region"() ({
      %run_scoped3A = tpu.sem_alloc : memref<!tpu.dma_semaphore, #tpu.memory_space<semaphore_mem>>
      %dma_start3A = arith.constant 0 : i32
      %dma_start3A_52 = tpu.memref_slice %arg6[%arg0, %mul3A_22, %dma_start3A] : memref<2x10000x16xf32, #tpu.memory_space<hbm>> -> memref<1x625x16xf32, #tpu.memory_space<hbm>>
      %dma_start3A_53 = tpu.memref_squeeze %dma_start3A_52 : memref<1x625x16xf32, #tpu.memory_space<hbm>> -> memref<625x16xf32, #tpu.memory_space<hbm>>
      %dma_start3A_54 = arith.constant 0 : i32
      %dma_start3A_55 = tpu.memref_slice %arg14[%mul3A_22, %dma_start3A_54] : memref<10000x16xf32, #tpu.memory_space<vmem_shared>> -> memref<625x16xf32, #tpu.memory_space<vmem_shared>>
      tpu.enqueue_dma source(%dma_start3A_55 : memref<625x16xf32, #tpu.memory_space<vmem_shared>>) target(%dma_start3A_53 : memref<625x16xf32, #tpu.memory_space<hbm>>) target_semaphore(%run_scoped3A : memref<!tpu.dma_semaphore, #tpu.memory_space<semaphore_mem>>)
      %dma_wait3A = arith.constant 0 : i32
      %dma_wait3A_56 = tpu.memref_slice %arg6[%arg0, %mul3A_22, %dma_wait3A] : memref<2x10000x16xf32, #tpu.memory_space<hbm>> -> memref<1x625x16xf32, #tpu.memory_space<hbm>>
      %dma_wait3A_57 = tpu.memref_squeeze %dma_wait3A_56 : memref<1x625x16xf32, #tpu.memory_space<hbm>> -> memref<625x16xf32, #tpu.memory_space<hbm>>
      %dma_wait3A_58 = arith.constant 0 : i32
      %dma_wait3A_59 = tpu.memref_slice %arg14[%mul3A_22, %dma_wait3A_58] : memref<10000x16xf32, #tpu.memory_space<vmem_shared>> -> memref<625x16xf32, #tpu.memory_space<vmem_shared>>
      tpu.wait_dma2 semaphore(%run_scoped3A : memref<!tpu.dma_semaphore, #tpu.memory_space<semaphore_mem>>) src(%dma_wait3A_59 : memref<625x16xf32, #tpu.memory_space<vmem_shared>>) dst(%dma_wait3A_57 : memref<625x16xf32, #tpu.memory_space<hbm>>)
      tpu.yield
    }) : () -> ()
    return
  }
}

</mosaic_0001>

<sc_bundles>
// kernel: _sc_segment_sum.3.cloned.1.call-start
scs
__scs_entry_jumppad:
0x0: {  	(pc) =	sbr.rel $0x88, $3  }
0x1: {  	(tag) =	ssettag $0x0;
	lr =	simm.s32 $0x1  }
0x2: {  	[smem:$0x3F9E] =	sst lr;
	_ =	strace $0xD0000000  }
0x3: {  	_ = 	snop  }
0x4: {  	_ = 	snop  }
0x5: {  	_ = 	snop  }
0x6: {  	_ = 	snop  }
0x7: {  	_ = 	snop  }
__scs_overlays_trampoline_lowered:
0x8: {  	[smem:$0x3FAD] =	sst s0  }
0x9: {  	[smem:$0x3FAE] =	sst s1  }
0xa: {  	[smem:$0x3FAF] =	sst s2  }
0xb: {  	[smem:$0x3FB0] =	sst s3  }
0xc: {  	[smem:$0x3FB1] =	sst s4  }
0xd: {  	[smem:$0x3FB2] =	sst s5  }
0xe: {  	[smem:$0x3FB3] =	sst s6  }
0xf: {  	[smem:$0x3FB4] =	sst s7  }
0x10: {  	[smem:$0x3FB5] =	sst s8  }
0x11: {  	[smem:$0x3FB6] =	sst s9;
	s0 =	simm.s32 @!p0 $0x0  }
0x12: {  	s1 =	sld [smem:$0x3F9C];
	s0 =	simm.s32 @p0 $0x1  }
0x13: {  	[smem:$0x3FB7] =	sst s0;
	s0 =	simm.s32 @!p1 $0x0  }
0x14: {  	s2 =	sld [smem:$0x3F9B];
	s0 =	simm.s32 @p1 $0x1  }
0x15: {  	[smem:$0x3FB8] =	sst s0;
	s0 =	simm.s32 @!p2 $0x0  }
0x16: {  	s3 =	sld [smem:$0x3FDB];
	s0 =	simm.s32 @p2 $0x1  }
0x17: {  	s4 =	simm.s32 $0x1BF5;
	[smem:$0x3FBA] =	sst s0  }
0x18: {  	s0 =	sld [smem:$0x3F9D];
	_ =	swait.ge [sflag:s4], $0x0  }
0x19: {  	s7 =	sld [smem:$0x3F9E]  }
0x1a: {  	s8 =	sadd.s32 $0xFFFFE003, lr  }
0x1b: {  	s9 =	sadd.s32 $0xFFFFFEF7, lr;
	s5 =	simm.s32 $0xFFFFFFFF;
	p2 =	slt.u32 s8, $0xFFFFF086  }
0x1c: {  	p1 =	slt.u32 s9, $0xF7A;
	s5 =	simm.s32 @!p2 $0x0  }
0x1d: {  	s5 =	simm.s32 @p1 $0x1;
	p0 =	seq.s32 s7, s2  }
0x1e: {  	s7 =	smul.u32 @!p0 $0xF7A, s2;
	p2 =	seq.s32 @!p0 s5, $0x0  }
0x1f: {  	s9 =	smul.u32 $0xF7A, s1;
	s8 =	simm.s32 @!p0 $0x1BF5;
	p2 =	por !p2, p0  }
0x20: {  	[sflag:s8] =	ssyncset.s32 @!p0 $0xFFFFF086;
	s6 =	sadd.s32 @!p0 s3, s7;
	s7 =	simm.s32 @!p0 $0x108  }
0x21: {  	s3 =	sadd.s32 s3, s9;
	s6 =	sadd.s32 @!p0 $0x88, s6;
	s7 =	simm.s32 @p2 $0x1082  }
0x22: {  	[simem:s7], [sflag:s8] =	dma.local @!p0 [hbm:s6], $0xF7A  }
0x23: {  	s9 =	sor.u32 $0xD0000000, s2;
	s6 =	simm.s32 $0x108;
	_ =	swait.ge @!p0 [sflag:s8], $0x0  }
0x24: {  	s3 =	sadd.s32 $0x88, s3;
	s6 =	simm.s32 @!p1 $0x1082;
	[sflag:s4] =	ssyncset.s32 $0xFFFFF086  }
0x25: {  	[simem:s6], [sflag:s4] =	dma.local [hbm:s3], $0xF7A  }
0x26: {  	[smem:$0x3F9E] =	sst s1;
	(tag) =	ssettag s2;
	_ =	strace s9  }
0x27: {  	s1 =	sld [smem:$0x3FAE]  }
0x28: {  	s2 =	sld [smem:$0x3FAF]  }
0x29: {  	s4 =	sld [smem:$0x3FB1]  }
0x2a: {  	p0 =	seq.s32 s5, $0x0;
	s5 =	sld [smem:$0x3FB2]  }
0x2b: {  	s6 =	sld [smem:$0x3FB3]  }
0x2c: {  	s7 =	sld [smem:$0x3FB4]  }
0x2d: {  	s3 =	simm.s32 $0x108;
	s8 =	sld [smem:$0x3FB5]  }
0x2e: {  	s3 =	simm.s32 @!p0 $0x1082;
	s9 =	sld [smem:$0x3FB6]  }
0x2f: {  	lr =	sadd.s32 s0, s3;
	s0 =	sld [smem:$0x3FAD]  }
0x30: {  	s3 =	sld [smem:$0x3FB0]  }
0x31: {  	[smem:$0x3FB9] =	sst s10  }
0x32: {  	s10 =	sld [smem:$0x3FB7];
	_ =	sdelay $0x3  }
0x33: {  	p0 =	seq.s32 s10, $0x1;
	s10 =	sld [smem:$0x3FB9];
	_ =	sdelay $0x3  }
0x34: {  	[smem:$0x3FB9] =	sst s10  }
0x35: {  	s10 =	sld [smem:$0x3FB8];
	_ =	sdelay $0x3  }
0x36: {  	p1 =	seq.s32 s10, $0x1;
	s10 =	sld [smem:$0x3FB9];
	_ =	sdelay $0x3  }
0x37: {  	[smem:$0x3FB9] =	sst s10  }
0x38: {  	s10 =	sld [smem:$0x3FBA]  }
0x39: {  	_ = 	snop;
	(pc) =	sbr.ind lr, $3  }
0x3a: {  	_ = 	snop  }
0x3b: {  	_ = 	snop  }
0x3c: {  	p2 =	seq.s32 s10, $0x1;
	s10 =	sld [smem:$0x3FB9]  }
0x3d: {  	_ =	shalt  }
0x3e: {  	_ =	shalt  }
0x3f: {  	_ =	shalt  }
0x40: {  	_ =	shalt  }
0x41: {  	_ =	shalt  }
0x42: {  	_ =	shalt  }
0x43: {  	_ =	shalt  }
0x44: {  	_ =	shalt  }
0x45: {  	_ =	shalt  }
0x46: {  	_ =	shalt  }
0x47: {  	_ =	shalt  }
0x48: {  	_ =	shalt  }
0x49: {  	_ =	shalt  }
0x4a: {  	_ =	shalt  }
0x4b: {  	_ =	shalt  }
0x4c: {  	_ =	shalt  }
0x4d: {  	_ =	shalt  }
0x4e: {  	_ =	shalt  }
0x4f: {  	_ =	shalt  }
0x50: {  	_ =	shalt  }
0x51: {  	_ =	shalt  }
0x52: {  	_ =	shalt  }
0x53: {  	_ =	shalt  }
0x54: {  	_ =	shalt  }
0x55: {  	_ =	shalt  }
0x56: {  	_ =	shalt  }
0x57: {  	_ =	shalt  }
0x58: {  	_ =	shalt  }
0x59: {  	_ =	shalt  }
0x5a: {  	_ =	shalt  }
0x5b: {  	_ =	shalt  }
0x5c: {  	_ =	shalt  }
0x5d: {  	_ =	shalt  }
0x5e: {  	_ =	shalt  }
0x5f: {  	_ =	shalt  }
0x60: {  	_ =	shalt  }
0x61: {  	_ =	shalt  }
0x62: {  	_ =	shalt  }
0x63: {  	_ =	shalt  }
0x64: {  	_ =	shalt  }
0x65: {  	_ =	shalt  }
0x66: {  	_ =	shalt  }
0x67: {  	_ =	shalt  }
0x68: {  	_ =	shalt  }
0x69: {  	_ =	shalt  }
0x6a: {  	_ =	shalt  }
0x6b: {  	_ =	shalt  }
0x6c: {  	_ =	shalt  }
0x6d: {  	_ =	shalt  }
0x6e: {  	_ =	shalt  }
0x6f: {  	_ =	shalt  }
0x70: {  	_ =	shalt  }
0x71: {  	_ =	shalt  }
0x72: {  	_ =	shalt  }
0x73: {  	_ =	shalt  }
0x74: {  	_ =	shalt  }
0x75: {  	_ =	shalt  }
0x76: {  	_ =	shalt  }
0x77: {  	_ =	shalt  }
0x78: {  	_ =	shalt  }
0x79: {  	_ =	shalt  }
0x7a: {  	_ =	shalt  }
0x7b: {  	_ =	shalt  }
0x7c: {  	_ =	shalt  }
0x7d: {  	_ =	shalt  }
0x7e: {  	_ =	shalt  }
0x7f: {  	_ =	shalt  }
0x80: {  	_ =	shalt  }
0x81: {  	_ =	shalt  }
0x82: {  	_ =	shalt  }
0x83: {  	_ =	shalt  }
0x84: {  	_ =	shalt  }
0x85: {  	_ =	shalt  }
0x86: {  	_ =	shalt  }
0x87: {  	_ =	shalt  }
.Lfunc_end0:
.L_simem_size_0:
called_computation_lowered:
.L_overlay_start_0:
0x88: {  	s2 =	sld [smem:$0x3FD9]  }
0x89: {  	s3 =	sld [smem:$0x3FFE];
	_ =	sdelay $0x1  }
0x8a: {  	s1 =	srdreg.scid  }
0x8b: {  	s0 =	sand.u32 $0x1, s1  }
0x8c: {  	s15 =	sshll.u32 s0, $0xA;
	s2 =	sadd.s32 s3, s2  }
0x8d: {  	s2 =	sadd.s32 s2, s15  }
0x8e: {  	[smem:$0x3FC5] =	sst s2  }
0x8f: {  	_ = 	snop  }
0x90: {  	s2 =	sld [smem:$0x3FD0]  }
0x91: {  	s16 =	sld [smem:$0x3FC9]  }
0x92: {  	s4 =	sld [smem:$0x3FC8]  }
0x93: {  	s6 =	simm.s32 $0xA;
	s7 =	simm.s32 $0x10;
	s5 =	sld [smem:$0x3FC7]  }
0x94: {  	[smem:s7], [sflag:s6] =	dma.local [hbm:s2], $0x1  }
0x95: {  	_ =	swait.eq [sflag:s6], $0x1  }
0x96: {  	[sflag:s6] =	ssyncset.done $0x0  }
0x97: {  	s17 =	sld [smem:$0x10];
	[sflag:s6] =	ssyncadd.s32 $0xFFFFFFFF  }
0x98: {  	s18 =	sld [smem:$0x11];
	(tm) =	ssettm $0x1  }
0x99: {  	s19 =	sld [smem:$0x3FFB];
	_ =	sdelay $0x3  }
0x9a: {  	_ =	strace s19  }
0x9b: {  	s7 =	sld [smem:$0x3FFC];
	_ =	sdelay $0x3  }
0x9c: {  	_ =	strace s7  }
0x9d: {  	s7 =	sld [smem:$0x3FFD];
	_ =	sdelay $0x3  }
0x9e: {  	_ =	strace s7  }
0x9f: {  	_ =	strace $0x8FFFFFFF  }
0xa0: {  	s20 =	sld [smem:$0x3FDB];
	_ =	sdelay $0x1  }
0xa1: {  	s8 =	simm.s32 $_scs_section_size  }
0xa2: {  	s9 =	simm.s32 $_size__tile_overlayer_lowered;
	s10 =	simm.s32 $_tile_overlayer_lowered  }
0xa3: {  	s23 =	simm.s32 $0x1BFF;
	s22 =	sshll.u32 s10, $0x1;
	s7 =	sadd.s32 s8, s20  }
0xa4: {  	s11 =	simm.s32 $0x0;
	s21 =	sshll.u32 s9, $0x1;
	s9 =	sadd.s32 s22, s7  }
0xa5: {  	[timem:s11], [sflag:s23] =	dma.local [hbm:s9], s21  }
0xa6: {  	_ =	swait.ge [sflag:s23], s21  }
0xa7: {  	s8 =	ssub.s32 $0x0, s21;
	[sflag:s23] =	ssyncset.done $0x0  }
0xa8: {  	[sflag:s23] =	ssyncadd.s32 s8;
	_ =	sdelay $0x1  }
0xa9: {  	s24 =	simm.s32 $0x1B8B  }
0xaa: {  	_ =	swait.ge [sflag:s24], $0x1  }
0xab: {  	[sflag:s24] =	ssyncset.done $0x0  }
0xac: {  	s25 =	simm.s32 $0x1B8E;
	[sflag:s24] =	ssyncadd.s32 $0xFFFFFFFF  }
0xad: {  	s26 =	simm.s32 $execute0_lowered;
	[smem:$0x3FD2] =	sst s25  }
0xae: {  	s8 =	sshll.u32 s26, $0x1;
	_ =	strace $0x80000046;
	[dreg:$0x1] =	wrdreg $0xFFFFFFFF  }
0xaf: {  	s28 =	simm.s32 $_size_execute0_lowered;
	s7 =	sadd.s32 s7, s8;
	[dreg:$0x0] =	wrdreg $0x0  }
0xb0: {  	s8 =	sshll.u32 s28, $0x1;
	[dreg:$0x2] =	wrdreg s7  }
0xb1: {  	[dreg:$0x3] =	wrdreg s8  }
0xb2: {  	[dreg:$0x4] =	wrdreg $0xC0  }
0xb3: {  	_ =	task [dreg:s11], $0x5FFFF  }
0xb4: {  	[dreg:$0x1] =	wrdreg $0xFFFFFFFF  }
0xb5: {  	[dreg:$0x0] =	wrdreg $0x60  }
0xb6: {  	[dreg:$0x2] =	wrdreg s16  }
0xb7: {  	[dreg:$0x3] =	wrdreg s4  }
0xb8: {  	[dreg:$0x4] =	wrdreg s5  }
0xb9: {  	[dreg:$0x5] =	wrdreg s17  }
0xba: {  	[dreg:$0x6] =	wrdreg s18  }
0xbb: {  	[dreg:$0x7] =	wrdreg $0x73F00  }
0xbc: {  	[dreg:$0x8] =	wrdreg $0x1AC700  }
0xbd: {  	[dreg:$0x9] =	wrdreg $0x9  }
0xbe: {  	_ =	task.clear_ibuf [dreg:s11], $0xAFFFF;
	_ =	strace $0x90000046  }
0xbf: {  	s29 =	simm.s32 $0x9;
	_ =	strace $0x80000048  }
0xc0: {  	_ =	swait.ge [sflag:s29], $0x1  }
0xc1: {  	[sflag:s29] =	ssyncadd.s32 $0xFFFFFFFF  }
0xc2: {  	_ =	strace $0x90000048  }
0xc3: {  	_ =	sfence  }
0xc4: {  	s30 =	sld [smem:$0x0];
	_ =	sdelay $0x2  }
0xc5: {  	s31 =	sshll.u32 s1, $0xD;
	s1 =	sshrl.u32 s1, $0x2  }
0xc6: {  	s3 =	sand.u32 $0x4000, s31;
	s1 =	sadd.s32 s1, s30  }
0xc7: {  	s0 =	sor.u32 s3, s0;
	s1 =	sshll.u32 s1, $0x11  }
0xc8: {  	s0 =	sor.u32 s1, s0  }
0xc9: {  	s0 =	sadd.s32 $0x8F2B, s0  }
0xca: {  	[sflag:s0] =	ssyncadd.remote.s32 $0x1  }
0xcb: {  	_ =	sfence.sel $0xFFFF  }
0xcc: {  	[dreg:$0x0] =	wrdreg $0xFFFFFFFF;
	(pc) =	sbr.abs _section_cstart, $3  }
0xcd: {  	[dreg:$0x1] =	wrdreg $0xFFFFFFFF  }
0xce: {  	_ =	task.clear_ibuf [dreg:s11], $0x2FFFF;
	_ =	strace $0x9FFFFFFF  }
0xcf: {  	(tm) =	ssettm $0x7FFFFFFF  }
tec
execute0_lowered:
.L_overlay_start_1:
0x0: {  	(tag) =	ssettag $0x1  }
0x1: {  	s20 =	rddreg [dreg:$0x0]  }
0x2: {  	s19 =	rddreg [dreg:$0x1]  }
0x3: {  	s0 =	rddreg [dreg:$0x2]  }
0x4: {  	s16 =	rddreg [dreg:$0x3];
	s1 =	stileid.u32  }
0x5: {  	s17 =	rddreg [dreg:$0x4];
	s14 =	smul.u32 $0x271, s1  }
0x6: {  	s3 =	rddreg [dreg:$0x5];
	s15 =	smul.u32 $0x13880, s1  }
0x7: {  	s5 =	srdreg.scid;
	s18 =	smul.u32 $0x2710, s1  }
0x8: {  	s4 =	rddreg [dreg:$0x6];
	s13 =	sand.u32 $0x1, s5;
	s25 =	smul.u32 $0x4E20, s1  }
0x9: {  	s29 =	simm.s32 $0x0;
	s5 =	simm.s32 $0x0;
	s23 =	smul.u32 $0x138800, s13  }
0xa: {  	s6 =	ssub.s32 $0x2, s13;
	[smem:$0x7FF] =	sst s5;
	s24 =	smul.u32 $0x27100, s13  }
0xb: {  	s28 =	smul.u32 $0x2710, s13;
	s7 =	sshrl.u32 s6, $0x1;
	_ =	strace $0x80000047  }
0xc: {  	s8 =	sadd.s32 $0x7D, s14;
	s11 =	sadd.s32 $0xFA, s14;
	s22 =	sadd.s32 $0x177, s14  }
0xd: {  	s14 =	sadd.s32 $0x1F4, s14;
	s21 =	ssub.s32 s6, s7;
	s6 =	sadd.s32 s15, s3  }
0xe: {  	s7 =	sadd.s32 s18, s4;
	s9 =	sshll.u32 s8, $0x7;
	s10 =	sshll.u32 s8, $0x4  }
0xf: {  	s12 =	sshll.u32 s22, $0x7;
	s22 =	sshll.u32 s22, $0x4;
	s23 =	sadd.s32 s15, s23  }
0x10: {  	s8 =	sshll.u32 s14, $0x7;
	s26 =	sshll.u32 s14, $0x4;
	s18 =	sadd.s32 s18, s24  }
0x11: {  	s30 =	sadd.s32 s28, s25;
	s24 =	simm.s32 $0x50;
	s25 =	simm.s32 $0xA0  }
0x12: {  	s28 =	simm.s32 $0x28A0;
	s2 =	sadd.s32 s9, s3;
	s9 =	sadd.s32 s10, s4  }
0x13: {  	s12 =	sadd.s32 s12, s3;
	s13 =	sadd.s32 s22, s4;
	s14 =	sadd.s32 s8, s3  }
0x14: {  	s15 =	sadd.s32 s26, s4;
	s26 =	sshrl.u32 s23, $0x3;
	s18 =	sshrl.u32 s18, $0x3  }
0x15: {  	s31 =	sshrl.u32 s30, $0x3;
	s22 =	simm.s32 $0x2;
	s23 =	simm.s32 $0x6C20  }
0x16: {  	[dreg:$0x8] =	wrdreg s2;
	s2 =	sshll.u32 s11, $0x7;
	s11 =	sshll.u32 s11, $0x4  }
0x17: {  	s16 =	sadd.s32 s16, s26;
	s17 =	sadd.s32 s17, s18;
	s18 =	smax.u32 s21, $0x1  }
0x18: {  	s19 =	sadd.s32 s31, s19;
	s20 =	sadd.s32 s31, s20;
	s21 =	simm.s32 $0x2DA0  }
0x19: {  	v0 =	vimm.f32 $1.000000000e+00;
	v1 =	vimm.f32 $0.0e+00;
	s26 =	simm.s32 $0x1;
	s10 =	sadd.s32 s2, s3;
	s11 =	sadd.s32 s11, s4  }
.LBB2_1:
0x1a: {  	s30 =	simm.s32 $0x40;
	s31 =	simm.s32 $0x0  }
.LBB2_2:
0x1b: {  	p0 =	sne.s32 s30, $0x13C0;
	[tilespmem:s31+$0x28A0] =	vst v0;
	s31 =	smov.u32 s30;
	s30 =	sadd.s32 $0x40, s30  }
.Ltmp0:
0x1c: {  	(pc) =	sbr.rel @p0 .LBB2_2-.Ltmp0, $2  }
0x1d: {  	_ =	sdelay $0x2  }
0x1e: {  	s31 =	sshra.s32 s31, $0x2  }
0x1f: {  	[tilespmem:s31+$0x28A0] =	vst v0;
	s30 =	simm.s32 $0x0;
	s31 =	simm.s32 $0x200  }
.LBB2_4:
0x20: {  	p0 =	sne.s32 s31, $0xF800;
	[tilespmem:s30+$0x2E10] =	vst v1  }
0x21: {  	[tilespmem:s30+$0x2DA0] =	vst v1  }
0x22: {  	[tilespmem:s30+$0x2DB0] =	vst v1  }
.Ltmp1:
0x23: {  	[tilespmem:s30+$0x2DC0] =	vst v1;
	(pc) =	sbr.rel @p0 .LBB2_4-.Ltmp1, $4  }
0x24: {  	[tilespmem:s30+$0x2DD0] =	vst v1  }
0x25: {  	[tilespmem:s30+$0x2DE0] =	vst v1  }
0x26: {  	[tilespmem:s30+$0x2DF0] =	vst v1  }
0x27: {  	[tilespmem:s30+$0x2E00] =	vst v1;
	s30 =	sshra.s32 s31, $0x2;
	s31 =	sadd.s32 $0x200, s31  }
0x28: {  	[tilespmem:s30+$0x2E10] =	vst v1  }
0x29: {  	[tilespmem:s30+$0x2DA0] =	vst v1  }
0x2a: {  	[tilespmem:s30+$0x2DB0] =	vst v1  }
0x2b: {  	[tilespmem:s30+$0x2DC0] =	vst v1  }
0x2c: {  	[tilespmem:s30+$0x2DD0] =	vst v1  }
0x2d: {  	[tilespmem:s30+$0x2DE0] =	vst v1  }
0x2e: {  	[tilespmem:s30+$0x2DF0] =	vst v1  }
0x2f: {  	[tilespmem:s30+$0x2E00] =	vst v1;
	s30 =	simm.s32 $0x40;
	s31 =	simm.s32 $0x0  }
.LBB2_6:
0x30: {  	p0 =	sne.s32 s30, $0x1F00;
	[tilespmem:s31+$0x6C20] =	vst v1;
	s31 =	smov.u32 s30;
	s30 =	sadd.s32 $0x40, s30  }
.Ltmp2:
0x31: {  	(pc) =	sbr.rel @p0 .LBB2_6-.Ltmp2, $2  }
0x32: {  	_ =	sdelay $0x2  }
0x33: {  	s31 =	sshra.s32 s31, $0x2  }
0x34: {  	[tilespmem:s31+$0x6C20] =	vst v1  }
0x35: {  	[spmem:s6] =	stream.linear.scatter [tilespmem:s21], [sflag:$0x2], $0x3E80, $0x38;
	[tilespmem:$0x1D380] =	vst v63  }
0x36: {  	_ =	swait.ge [sflag:s22], $0x3E80  }
0x37: {  	[sflag:s22] =	ssyncset.done $0x0  }
0x38: {  	[sflag:s22] =	ssyncadd.s32 $0xFFFFC180  }
0x39: {  	[spmem:s7] =	stream.linear.scatter [tilespmem:s23], [sflag:$0x2], $0x7D0, $0x38;
	[tilespmem:$0x1D380] =	vst v63  }
0x3a: {  	_ =	swait.ge [sflag:s22], $0x7D0  }
0x3b: {  	[sflag:s22] =	ssyncset.done $0x0  }
0x3c: {  	s1 =	rddreg [dreg:$0x8];
	[sflag:s22] =	ssyncadd.s32 $0xFFFFF830  }
0x3d: {  	[spmem:s1] =	stream.linear.scatter [tilespmem:s21], [sflag:$0x2], $0x3E80, $0x38;
	[tilespmem:$0x1D380] =	vst v63  }
0x3e: {  	_ =	swait.ge [sflag:s22], $0x3E80  }
0x3f: {  	[sflag:s22] =	ssyncset.done $0x0  }
0x40: {  	[sflag:s22] =	ssyncadd.s32 $0xFFFFC180  }
0x41: {  	[spmem:s9] =	stream.linear.scatter [tilespmem:s23], [sflag:$0x2], $0x7D0, $0x38;
	[tilespmem:$0x1D380] =	vst v63  }
0x42: {  	_ =	swait.ge [sflag:s22], $0x7D0  }
0x43: {  	[sflag:s22] =	ssyncset.done $0x0  }
0x44: {  	[sflag:s22] =	ssyncadd.s32 $0xFFFFF830  }
0x45: {  	[spmem:s10] =	stream.linear.scatter [tilespmem:s21], [sflag:$0x2], $0x3E80, $0x38;
	[tilespmem:$0x1D380] =	vst v63  }
0x46: {  	_ =	swait.ge [sflag:s22], $0x3E80  }
0x47: {  	[sflag:s22] =	ssyncset.done $0x0  }
0x48: {  	[sflag:s22] =	ssyncadd.s32 $0xFFFFC180  }
0x49: {  	[spmem:s11] =	stream.linear.scatter [tilespmem:s23], [sflag:$0x2], $0x7D0, $0x38;
	[tilespmem:$0x1D380] =	vst v63  }
0x4a: {  	_ =	swait.ge [sflag:s22], $0x7D0  }
0x4b: {  	[sflag:s22] =	ssyncset.done $0x0  }
0x4c: {  	[sflag:s22] =	ssyncadd.s32 $0xFFFFF830  }
0x4d: {  	[spmem:s12] =	stream.linear.scatter [tilespmem:s21], [sflag:$0x2], $0x3E80, $0x38;
	[tilespmem:$0x1D380] =	vst v63  }
0x4e: {  	_ =	swait.ge [sflag:s22], $0x3E80  }
0x4f: {  	[sflag:s22] =	ssyncset.done $0x0  }
0x50: {  	[sflag:s22] =	ssyncadd.s32 $0xFFFFC180  }
0x51: {  	[spmem:s13] =	stream.linear.scatter [tilespmem:s23], [sflag:$0x2], $0x7D0, $0x38;
	[tilespmem:$0x1D380] =	vst v63  }
0x52: {  	_ =	swait.ge [sflag:s22], $0x7D0  }
0x53: {  	[sflag:s22] =	ssyncset.done $0x0  }
0x54: {  	[sflag:s22] =	ssyncadd.s32 $0xFFFFF830  }
0x55: {  	[spmem:s14] =	stream.linear.scatter [tilespmem:s21], [sflag:$0x2], $0x3E80, $0x38;
	[tilespmem:$0x1D380] =	vst v63  }
0x56: {  	_ =	swait.ge [sflag:s22], $0x3E80  }
0x57: {  	[sflag:s22] =	ssyncset.done $0x0  }
0x58: {  	[sflag:s22] =	ssyncadd.s32 $0xFFFFC180  }
0x59: {  	[spmem:s15] =	stream.linear.scatter [tilespmem:s23], [sflag:$0x2], $0x7D0, $0x38;
	[tilespmem:$0x1D380] =	vst v63  }
0x5a: {  	_ =	swait.ge [sflag:s22], $0x7D0  }
0x5b: {  	[sflag:s22] =	ssyncset.done $0x0  }
0x5c: {  	[sflag:s22] =	ssyncadd.s32 $0xFFFFF830  }
0x5d: {  	s30 =	sadd.s32 $0x0, s20;
	[bflag:$0x0] =	sbarrier.arrive $0xFFFF  }
0x5e: {  	[tilespmem:s5], [sflag:$0x2] =	stream.linear.gather [hbm4b:s30+s5], $0x50, $0x38;
	[tilespmem:$0x1D380] =	vst v63  }
0x5f: {  	_ =	swait.ge [sflag:s22], $0x50  }
0x60: {  	[sflag:s22] =	ssyncset.done $0x0  }
0x61: {  	s30 =	sadd.s32 $0x0, s19;
	[sflag:s22] =	ssyncadd.s32 $0xFFFFFFB0  }
0x62: {  	[tilespmem:s24], [sflag:$0x2] =	stream.linear.gather [hbm4b:s30+s5], $0x50, $0x38;
	[tilespmem:$0x1D380] =	vst v63  }
0x63: {  	_ =	swait.ge [sflag:s22], $0x50  }
0x64: {  	[sflag:s22] =	ssyncset.done $0x0  }
0x65: {  	[sflag:s22] =	ssyncadd.s32 $0xFFFFFFB0  }
0x66: {  	[tilespmem:s25], [sflag:$0x1] =	stream.indirect.gather [hbm4b:s0+s24], $0x80, s5, s24, $0xb8;
	[tilespmem:$0x1D380] =	vst v63  }
0x67: {  	_ =	swait.ge [sflag:s26], $0x2800  }
0x68: {  	[sflag:s26] =	ssyncset.done $0x0  }
0x69: {  	[sflag:s26] =	ssyncadd.s32 $0xFFFFD800  }
0x6a: {  	[spmem:s3] =	stream.indirect.scatter.add.f32 [tilespmem:s25], [sflag:$0x2], $0x80, s24, s24, $0xb8;
	[tilespmem:$0x1D380] =	vst v63  }
0x6b: {  	_ =	swait.ge [sflag:s22], $0x2800  }
0x6c: {  	[sflag:s22] =	ssyncset.done $0x0  }
0x6d: {  	[sflag:s22] =	ssyncadd.s32 $0xFFFFD800  }
0x6e: {  	[spmem:s4] =	stream.indirect.scatter.add.f32 [tilespmem:s28], [sflag:$0x2], $0x10, s24, s24, $0xb8;
	[tilespmem:$0x1D380] =	vst v63  }
0x6f: {  	_ =	swait.ge [sflag:s22], $0x500  }
0x70: {  	s31 =	simm.s32 $0x14;
	s30 =	simm.s32 $0xA;
	[sflag:s22] =	ssyncset.done $0x0  }
.LBB2_8:
0x71: {  	s1 =	sadd.s32 s30, s20  }
0x72: {  	[sflag:s22] =	ssyncadd.s32 $0xFFFFFB00;
	s2 =	smov.u32 s31;
	s8 =	sadd.s32 $0xA, s31  }
0x73: {  	[tilespmem:s5], [sflag:$0x2] =	stream.linear.gather [hbm4b:s1+s5], $0x50, $0x38;
	[tilespmem:$0x1D380] =	vst v63  }
0x74: {  	p0 =	sne.s32 s31, $0x4D8;
	_ =	swait.ge [sflag:s22], $0x50  }
0x75: {  	[sflag:s22] =	ssyncset.done $0x0  }
0x76: {  	s1 =	sadd.s32 s30, s19;
	s30 =	smov.u32 s2;
	[sflag:s22] =	ssyncadd.s32 $0xFFFFFFB0  }
0x77: {  	[tilespmem:s24], [sflag:$0x2] =	stream.linear.gather [hbm4b:s1+s5], $0x50, $0x38;
	[tilespmem:$0x1D380] =	vst v63  }
0x78: {  	_ =	swait.ge [sflag:s22], $0x50  }
0x79: {  	[sflag:s22] =	ssyncset.done $0x0  }
0x7a: {  	[sflag:s22] =	ssyncadd.s32 $0xFFFFFFB0  }
0x7b: {  	[tilespmem:s25], [sflag:$0x1] =	stream.indirect.gather [hbm4b:s0+s24], $0x80, s5, s24, $0xb8;
	[tilespmem:$0x1D380] =	vst v63  }
0x7c: {  	_ =	swait.ge [sflag:s26], $0x2800  }
0x7d: {  	[sflag:s26] =	ssyncset.done $0x0  }
0x7e: {  	[sflag:s26] =	ssyncadd.s32 $0xFFFFD800  }
0x7f: {  	[spmem:s3] =	stream.indirect.scatter.add.f32 [tilespmem:s25], [sflag:$0x2], $0x80, s24, s24, $0xb8;
	[tilespmem:$0x1D380] =	vst v63  }
0x80: {  	_ =	swait.ge [sflag:s22], $0x2800  }
.Ltmp3:
0x81: {  	[sflag:s22] =	ssyncset.done $0x0;
	(pc) =	sbr.rel @p0 .LBB2_8-.Ltmp3, $4  }
0x82: {  	[sflag:s22] =	ssyncadd.s32 $0xFFFFD800  }
0x83: {  	[spmem:s4] =	stream.indirect.scatter.add.f32 [tilespmem:s28], [sflag:$0x2], $0x10, s24, s24, $0xb8;
	[tilespmem:$0x1D380] =	vst v63  }
0x84: {  	_ =	swait.ge [sflag:s22], $0x500  }
0x85: {  	s31 =	smov.u32 s8;
	[sflag:s22] =	ssyncset.done $0x0  }
0x86: {  	s1 =	sadd.s32 s30, s20;
	[sflag:s22] =	ssyncadd.s32 $0xFFFFFB00  }
0x87: {  	[tilespmem:s5], [sflag:$0x2] =	stream.linear.gather [hbm4b:s1+s5], $0x50, $0x38;
	[tilespmem:$0x1D380] =	vst v63  }
0x88: {  	_ =	swait.ge [sflag:s22], $0x50  }
0x89: {  	[sflag:s22] =	ssyncset.done $0x0  }
0x8a: {  	s8 =	sadd.s32 s30, s19;
	[sflag:s22] =	ssyncadd.s32 $0xFFFFFFB0  }
0x8b: {  	[tilespmem:s24], [sflag:$0x2] =	stream.linear.gather [hbm4b:s8+s5], $0x50, $0x38;
	[tilespmem:$0x1D380] =	vst v63  }
0x8c: {  	_ =	swait.ge [sflag:s22], $0x50  }
0x8d: {  	[sflag:s22] =	ssyncset.done $0x0  }
0x8e: {  	[sflag:s22] =	ssyncadd.s32 $0xFFFFFFB0  }
0x8f: {  	[tilespmem:s25], [sflag:$0x1] =	stream.indirect.gather [hbm4b:s0+s24], $0x80, s5, s24, $0xb8;
	[tilespmem:$0x1D380] =	vst v63  }
0x90: {  	_ =	swait.ge [sflag:s26], $0x2800  }
0x91: {  	[sflag:s26] =	ssyncset.done $0x0  }
0x92: {  	[sflag:s26] =	ssyncadd.s32 $0xFFFFD800  }
0x93: {  	[spmem:s3] =	stream.indirect.scatter.add.f32 [tilespmem:s25], [sflag:$0x2], $0x80, s24, s24, $0xb8;
	[tilespmem:$0x1D380] =	vst v63  }
0x94: {  	_ =	swait.ge [sflag:s22], $0x2800  }
0x95: {  	[sflag:s22] =	ssyncset.done $0x0  }
0x96: {  	[sflag:s22] =	ssyncadd.s32 $0xFFFFD800  }
0x97: {  	[spmem:s4] =	stream.indirect.scatter.add.f32 [tilespmem:s28], [sflag:$0x2], $0x10, s24, s24, $0xb8;
	[tilespmem:$0x1D380] =	vst v63  }
0x98: {  	_ =	swait.ge [sflag:s22], $0x500  }
0x99: {  	s30 =	stileid.u32;
	[sflag:s22] =	ssyncset.done $0x0  }
0x9a: {  	s1 =	sshll.u32 s30, $0x6;
	[sflag:s22] =	ssyncadd.s32 $0xFFFFFB00  }
0x9b: {  	s2 =	sshrl.u32 s6, $0x3;
	s1 =	sor.u32 $0x1C02, s1;
	[bflag:$0x0] =	sbarrier.arrive $0xFFFF  }
0x9c: {  	[hbm:s16], [sflag:s1] =	dma.local [spmem:s2], $0x2710  }
0x9d: {  	s29 =	sadd.s32 $0x1, s29;
	_ =	swait.ge [sflag:s22], $0x2710  }
0x9e: {  	p0 =	sne.s32 s29, s18;
	[sflag:s22] =	ssyncset.done $0x0  }
.Ltmp4:
0x9f: {  	s31 =	sshrl.u32 s7, $0x3;
	[sflag:s22] =	ssyncadd.s32 $0xFFFFD8F0;
	(pc) =	sbr.rel @p0 .LBB2_1-.Ltmp4, $4  }
0xa0: {  	[hbm:s17], [sflag:s1] =	dma.local [spmem:s31], $0x4E2  }
0xa1: {  	_ =	swait.ge [sflag:s22], $0x4E2  }
0xa2: {  	[sflag:s22] =	ssyncset.done $0x0  }
0xa3: {  	[sflag:s22] =	ssyncadd.s32 $0xFFFFFB1E  }
0xa4: {  	_ =	sfence.sel $0x180000  }
0xa5: {  	[bflag:$0x0] =	sbarrier.arrive $0xFFFF  }
0xa6: {  	_ =	strace $0x90000047  }
0xa7: {  	s0 =	stileid.u32;
	[bflag:$0x2] =	sbarrier.arrive $0xFFFF  }
0xa8: {  	p0 =	sne.s32 s0, $0x0;
	s0 =	rddreg [dreg:$0x7]  }
0xa9: {  	s0 =	sadd.s32 @!p0 $0x100000, s0  }
0xaa: {  	[sflag:s0] =	ssyncadd.tile.s32 @!p0 $0x1;
	_ =	shalt  }
.Lfunc_end2:
_tile_overlayer_lowered:
.L_overlay_start_2:
0xab: {  	(tag) =	ssettag $0x2  }
0xac: {  	s0 =	rddreg [dreg:$0x0];
	s2 =	stileid.u32  }
0xad: {  	s1 =	rddreg [dreg:$0x1];
	p0 =	sne.s32 s2, $0x0  }
0xae: {  	s3 =	rddreg [dreg:$0x2];
	[bflag:$0x3] =	sbarrier.arrive $0xFFFF;
	s2 =	simm.s32 @!p0 $0x1C02  }
0xaf: {  	[timem:s3], [sflag:s2] =	dma.local @!p0 [hbm:s0], s1  }
0xb0: {  	s0 =	simm.s32 @!p0 $0x2  }
0xb1: {  	_ =	swait.ge @!p0 [sflag:s0], s1  }
0xb2: {  	s1 =	ssub.s32 @!p0 $0x0, s1;
	[sflag:s0] =	ssyncset.done @!p0 $0x0  }
0xb3: {  	[sflag:s0] =	ssyncadd.s32 @!p0 s1  }
0xb4: {  	[bflag:$0x3] =	sbarrier.arrive $0xFFFF  }
0xb5: {  	_ =	shalt  }

</sc_bundles>
